<compile_context>
chip_gen: v7x
topology: tpu7x:2x2x1
jax: 0.10.2.dev20260603
libtpu: 0.0.44.dev20260713+nightly
codegen_flags: <defaults>
</compile_context>

<pallas_src>
import functools

import jax
import jax.numpy as jnp
from jax import lax
from jax.experimental import pallas as pl
from jax.experimental.pallas import tpu as pltpu
from jax.experimental.pallas import tpu_sc as plsc

_EMB_DIM = 256
_NUM_EMB = 8192
_COMMIT = 0.25
_ROWS = 8192
_BLK = 512
_NBLK = _ROWS // _BLK
_STRIPE = 2816
_NC, _NS = 2, 16
_NW = _NC * _NS
_BPW = _ROWS // _NW


def _assign_body(x_ref, e_ref, eb_ref, idx_ref, loss_ref, e2_ref, acc_ref):
    i = pl.program_id(0)

    @pl.when(i == 0)
    def _init():
        e = e_ref[...]
        e2_ref[...] = jnp.sum(e * e, axis=0, keepdims=True)
        acc_ref[...] = jnp.zeros((1, 1), jnp.float32)

    x = x_ref[...]
    x2 = jnp.sum(x * x, axis=1, keepdims=True)
    mm = jnp.dot(x.astype(jnp.bfloat16), eb_ref[...],
                 preferred_element_type=jnp.float32)
    dist = (x2 - 2.0 * mm) + e2_ref[...]
    bounds = (0, _STRIPE, 2 * _STRIPE, _NUM_EMB)
    mind = acc_v = acc_i = None
    for c in range(3):
        lo, hi = bounds[c], bounds[c + 1]
        dc = dist[:, lo:hi]
        mv = jnp.min(dc, axis=1, keepdims=True)
        mi = (jnp.argmin(dc, axis=1).astype(jnp.int32) + lo).reshape(_BLK, 1)
        if c == 0:
            mind, acc_v, acc_i = mv, mv, mi
        else:
            mind = jnp.minimum(mind, mv)
            take = mv < acc_v
            acc_i = jnp.where(take, mi, acc_i)
            acc_v = jnp.where(take, mv, acc_v)
        acc_v = acc_v.astype(jnp.bfloat16).astype(jnp.float32)
    idx_ref[...] = acc_i.reshape(1, 1, _BLK)
    acc_ref[...] += jnp.sum(mind).reshape(1, 1)

    @pl.when(i == _NBLK - 1)
    def _fin():
        loss_ref[...] = acc_ref[...] * (_COMMIT / (_ROWS * _EMB_DIM))


def _tc_assign(x, embed, embed_bf16, interpret=False):
    return pl.pallas_call(
        _assign_body,
        grid=(_NBLK,),
        in_specs=[pl.BlockSpec((_BLK, _EMB_DIM), lambda i: (i, 0)),
                  pl.BlockSpec((_EMB_DIM, _NUM_EMB), lambda i: (0, 0)),
                  pl.BlockSpec((_EMB_DIM, _NUM_EMB), lambda i: (0, 0))],
        out_specs=[pl.BlockSpec((1, 1, _BLK), lambda i: (i, 0, 0)),
                   pl.BlockSpec((1, 1), lambda i: (0, 0))],
        out_shape=[jax.ShapeDtypeStruct((_NBLK, 1, _BLK), jnp.int32),
                   jax.ShapeDtypeStruct((1, 1), jnp.float32)],
        scratch_shapes=[pltpu.VMEM((1, _NUM_EMB), jnp.float32),
                        pltpu.VMEM((1, 1), jnp.float32)],
        interpret=interpret,
    )(x, embed, embed_bf16)


def _perp_body(c2_ref, perp_ref):
    c = c2_ref[0:1, :] + c2_ref[1:2, :]
    p = c * (1.0 / _ROWS)
    ent = jnp.sum(p * jnp.log(p + 1e-10))
    perp_ref[...] = jnp.exp(-ent).reshape(1, 1)


def _tc_perp(counts2):
    return pl.pallas_call(
        _perp_body,
        out_shape=jax.ShapeDtypeStruct((1, 1), jnp.float32),
    )(counts2)


@functools.cache
def _sc_gather_kernel():
    @functools.partial(
        pl.kernel,
        out_type=[jax.ShapeDtypeStruct((_ROWS, _EMB_DIM), jnp.float32),
                  jax.ShapeDtypeStruct((_NC, _NUM_EMB), jnp.float32)],
        mesh=plsc.VectorSubcoreMesh(core_axis_name="c", subcore_axis_name="s"),
        scratch_types=[pltpu.VMEM((_BPW, _EMB_DIM), jnp.float32),
                       pltpu.VMEM((2, 128), jnp.int32),
                       pltpu.VMEM((128,), jnp.float32),
                       pltpu.VMEM_SHARED((_NUM_EMB,), jnp.float32),
                       pltpu.SemaphoreType.DMA],
    )
    def gather(table_hbm, idx2_hbm, ones_hbm, zeros_hbm,
               q_hbm, cnt_hbm, rows_v, idx2_v, ones_v, cnt_sh, sem):
        c = lax.axis_index("c")
        s = lax.axis_index("s")
        wid = s * _NC + c
        base = wid * _BPW

        @pl.when(s == 0)
        def _zero():
            pltpu.sync_copy(zeros_hbm, cnt_sh)

        plsc.subcore_barrier()
        pltpu.sync_copy(idx2_hbm.at[pl.ds(wid * 2, 2)], idx2_v)
        cp0 = pltpu.async_copy(table_hbm.at[idx2_v.at[0]],
                               rows_v.at[pl.ds(0, 128)], sem)
        cp1 = pltpu.async_copy(table_hbm.at[idx2_v.at[1]],
                               rows_v.at[pl.ds(128, 128)], sem)
        pltpu.sync_copy(ones_hbm, ones_v)
        for j in range(2):
            pltpu.sync_copy(ones_v, cnt_sh.at[idx2_v.at[j]], add=True)
        cp0.wait()
        cp1.wait()
        pltpu.sync_copy(rows_v, q_hbm.at[pl.ds(base, _BPW)])
        plsc.subcore_barrier()

        @pl.when(s == 0)
        def _out():
            pltpu.sync_copy(cnt_sh, cnt_hbm.at[c])

    return gather


def kernel(inputs, embed):
    x = jnp.transpose(inputs, (0, 2, 3, 1)).reshape(_ROWS, _EMB_DIM)
    idx3, loss = _tc_assign(x, embed, embed.astype(jnp.bfloat16))
    idx = idx3.reshape(_ROWS)
    q, counts2 = _sc_gather_kernel()(
        embed.T, idx.reshape(_ROWS // 128, 128),
        jnp.ones((128,), jnp.float32), jnp.zeros((_NUM_EMB,), jnp.float32))
    perp = _tc_perp(counts2)
    qt = jnp.transpose(q.reshape(8, 32, 32, _EMB_DIM), (0, 3, 1, 2))
    return qt, loss.reshape(()), perp.reshape(())

# --- scband reference (transcript-rebuilt; emitter-appended) ---
"""Pipeline reference for scband-vector-quantizer-ema-12017318494470 (READ-ONLY COPY).

The authoritative reference and input builder live on the scoring server;
editing this copy changes nothing except your own understanding.
"""

import jax, jax.numpy as jnp
import numpy as np

EMB_DIM = 256
NUM_EMB = 8192
COMMITMENT = 0.25

def setup_inputs(seed: int = 0) -> dict:
    key = jax.random.key(seed)
    k1, k2 = jax.random.split(key)
    inputs = jax.random.normal(k1, (8, EMB_DIM, 32, 32), dtype=jnp.float32)
    embed = jax.random.normal(k2, (EMB_DIM, NUM_EMB), dtype=jnp.float32)
    return {"inputs": inputs, "embed": embed}

def reference(inputs, embed):
    # eval-mode forward of VectorQuantizerEMA (EMA buffer updates skipped)
    x = jnp.transpose(inputs, (0, 2, 3, 1))  # BCHW -> BHWC
    inputs_shape = x.shape
    flatten = x.reshape(-1, EMB_DIM)
    distance = (jnp.sum(flatten ** 2, axis=1, keepdims=True)
                - 2.0 * (flatten @ embed)
                + jnp.sum(embed ** 2, axis=0, keepdims=True))
    embed_idx = jnp.argmin(distance, axis=1)
    embed_onehot = jax.nn.one_hot(embed_idx, NUM_EMB, dtype=flatten.dtype)
    embed_idx_r = embed_idx.reshape(inputs_shape[:-1])
    # F.embedding(embed_idx, embed.T)
    quantize = jnp.take(embed.T, embed_idx_r, axis=0)
    quantize = quantize.reshape(inputs_shape)
    e_latent_loss = jnp.mean((jax.lax.stop_gradient(quantize) - x) ** 2)
    loss = COMMITMENT * e_latent_loss
    quantize_st = x + jax.lax.stop_gradient(quantize - x)
    avg_probs = jnp.mean(embed_onehot, axis=0)
    perplexity = jnp.exp(-jnp.sum(avg_probs * jnp.log(avg_probs + 1e-10)))
    return (jnp.transpose(quantize_st, (0, 3, 1, 2)), loss, perplexity)

if __name__ == "__main__":
    import jax
    _d = setup_inputs()
    print(jax.jit(kernel)(*tuple(_d.values())))

</pallas_src>

<mosaic_0001>
#map = affine_map<(d0, d1) -> (0, 0)>
#map1 = affine_map<(d0, d1) -> (0)>
module attributes {stable_mosaic.version = 14 : i64} {
  func.func @gather(%arg0: i32, %arg1: i32, %arg2: memref<8192x256xf32, #tpu.memory_space<hbm>>, %arg3: memref<64x128xi32, #tpu.memory_space<hbm>>, %arg4: memref<128xf32, #tpu.memory_space<hbm>>, %arg5: memref<8192xf32, #tpu.memory_space<hbm>>, %arg6: memref<8192x256xf32, #tpu.memory_space<hbm>>, %arg7: memref<2x8192xf32, #tpu.memory_space<hbm>>, %arg8: memref<256x256xf32, #tpu.memory_space<vmem>>, %arg9: memref<2x128xi32, #tpu.memory_space<vmem>>, %arg10: memref<128xf32, #tpu.memory_space<vmem>>, %arg11: memref<8192xf32, #tpu.memory_space<vmem_shared>>, %arg12: memref<!tpu.dma_semaphore, #tpu.memory_space<semaphore_mem>>) attributes {dimension_semantics = [#tpu.dimension_semantics<core_parallel>, #tpu.dimension_semantics<subcore_parallel>], iteration_bounds = array<i64: 2, 16>, scalar_prefetch = 0 : i64, scratch_operands = 5 : i64, tpu.core_type = #tpu.core_type<sc_vector_subcore>, window_params = [{transform_indices = #map}, {transform_indices = #map}, {transform_indices = #map1}, {transform_indices = #map1}, {transform_indices = #map}, {transform_indices = #map}]} {
    %mul3A = arith.constant 2 : i32
    %mul3A_0 = arith.muli %arg1, %mul3A : i32
    %add3A = arith.addi %mul3A_0, %arg0 : i32
    %mul3A_1 = arith.constant 256 : i32
    %mul3A_2 = arith.muli %add3A, %mul3A_1 : i32
    %eq3A = arith.constant 0 : i32
    %eq3A_3 = arith.cmpi eq, %arg1, %eq3A : i32
    %convert_element_type3A = arith.extui %eq3A_3 : i1 to i32
    %cond3A = arith.constant 0 : i32
    %cond3A_4 = arith.cmpi ne, %convert_element_type3A, %cond3A : i32
    scf.if %cond3A_4 {
      "tpu.region"() ({
        %run_scoped3A_52 = tpu.sem_alloc : memref<!tpu.dma_semaphore, #tpu.memory_space<semaphore_mem>>
        tpu.enqueue_dma source(%arg5 : memref<8192xf32, #tpu.memory_space<hbm>>) target(%arg11 : memref<8192xf32, #tpu.memory_space<vmem_shared>>) target_semaphore(%run_scoped3A_52 : memref<!tpu.dma_semaphore, #tpu.memory_space<semaphore_mem>>)
        tpu.wait_dma2 semaphore(%run_scoped3A_52 : memref<!tpu.dma_semaphore, #tpu.memory_space<semaphore_mem>>) src(%arg5 : memref<8192xf32, #tpu.memory_space<hbm>>) dst(%arg11 : memref<8192xf32, #tpu.memory_space<vmem_shared>>)
        tpu.yield
      }) : () -> ()
    } else {
    }
    %barrier3A = arith.constant 0 : index
    tpu.barrier barrier_id(%barrier3A)
    %mul3A_5 = arith.constant 2 : i32
    %mul3A_6 = arith.muli %add3A, %mul3A_5 : i32
    "tpu.region"() ({
      %run_scoped3A_52 = tpu.sem_alloc : memref<!tpu.dma_semaphore, #tpu.memory_space<semaphore_mem>>
      %dma_start3A_53 = arith.constant 0 : i32
      %dma_start3A_54 = tpu.memref_slice %arg3[%mul3A_6, %dma_start3A_53] : memref<64x128xi32, #tpu.memory_space<hbm>> -> memref<2x128xi32, #tpu.memory_space<hbm>>
      %dma_start3A_55 = arith.constant 0 : i32
      %dma_start3A_56 = tpu.memref_slice %arg3[%mul3A_6, %dma_start3A_55] : memref<64x128xi32, #tpu.memory_space<hbm>> -> memref<2x128xi32, #tpu.memory_space<hbm>>
      tpu.enqueue_dma source(%dma_start3A_56 : memref<2x128xi32, #tpu.memory_space<hbm>>) target(%arg9 : memref<2x128xi32, #tpu.memory_space<vmem>>) target_semaphore(%run_scoped3A_52 : memref<!tpu.dma_semaphore, #tpu.memory_space<semaphore_mem>>)
      %dma_wait3A_57 = arith.constant 0 : i32
      %dma_wait3A_58 = tpu.memref_slice %arg3[%mul3A_6, %dma_wait3A_57] : memref<64x128xi32, #tpu.memory_space<hbm>> -> memref<2x128xi32, #tpu.memory_space<hbm>>
      %dma_wait3A_59 = arith.constant 0 : i32
      %dma_wait3A_60 = tpu.memref_slice %arg3[%mul3A_6, %dma_wait3A_59] : memref<64x128xi32, #tpu.memory_space<hbm>> -> memref<2x128xi32, #tpu.memory_space<hbm>>
      tpu.wait_dma2 semaphore(%run_scoped3A_52 : memref<!tpu.dma_semaphore, #tpu.memory_space<semaphore_mem>>) src(%dma_wait3A_60 : memref<2x128xi32, #tpu.memory_space<hbm>>) dst(%arg9 : memref<2x128xi32, #tpu.memory_space<vmem>>)
      tpu.yield
    }) : () -> ()
    %dma_start3A = arith.constant 0 : i32
    %dma_start3A_7 = arith.constant 0 : i32
    %dma_start3A_8 = arith.constant 0 : i32
    %dma_start3A_9 = tpu.memref_slice %arg8[%dma_start3A_7, %dma_start3A_8] : memref<256x256xf32, #tpu.memory_space<vmem>> -> memref<128x256xf32, #tpu.memory_space<vmem>>
    %dma_start3A_10 = arith.constant 0 : i32
    %dma_start3A_11 = tpu.memref_slice %arg9[%dma_start3A, %dma_start3A_10] : memref<2x128xi32, #tpu.memory_space<vmem>> -> memref<1x128xi32, #tpu.memory_space<vmem>>
    %dma_start3A_12 = tpu.memref_squeeze %dma_start3A_11 : memref<1x128xi32, #tpu.memory_space<vmem>> -> memref<128xi32, #tpu.memory_space<vmem>>
    %dma_start3A_13 = arith.constant 0 : i32
    %dma_start3A_14 = arith.constant 0 : i32
    %dma_start3A_15 = tpu.memref_slice %arg2[%dma_start3A_13, %dma_start3A_14] : memref<8192x256xf32, #tpu.memory_space<hbm>> -> memref<8192x256xf32, #tpu.memory_space<hbm>>
    tpu.enqueue_indirect_dma source(%dma_start3A_15 : memref<8192x256xf32, #tpu.memory_space<hbm>>) target(%dma_start3A_9 : memref<128x256xf32, #tpu.memory_space<vmem>>) offsets(%dma_start3A_12 : memref<128xi32, #tpu.memory_space<vmem>>) semaphore(%arg12 : memref<!tpu.dma_semaphore, #tpu.memory_space<semaphore_mem>>)
    %dma_start3A_16 = arith.constant 1 : i32
    %dma_start3A_17 = arith.constant 128 : i32
    %dma_start3A_18 = arith.constant 0 : i32
    %dma_start3A_19 = tpu.memref_slice %arg8[%dma_start3A_17, %dma_start3A_18] : memref<256x256xf32, #tpu.memory_space<vmem>> -> memref<128x256xf32, #tpu.memory_space<vmem>>
    %dma_start3A_20 = arith.constant 0 : i32
    %dma_start3A_21 = tpu.memref_slice %arg9[%dma_start3A_16, %dma_start3A_20] : memref<2x128xi32, #tpu.memory_space<vmem>> -> memref<1x128xi32, #tpu.memory_space<vmem>>
    %dma_start3A_22 = tpu.memref_squeeze %dma_start3A_21 : memref<1x128xi32, #tpu.memory_space<vmem>> -> memref<128xi32, #tpu.memory_space<vmem>>
    %dma_start3A_23 = arith.constant 0 : i32
    %dma_start3A_24 = arith.constant 0 : i32
    %dma_start3A_25 = tpu.memref_slice %arg2[%dma_start3A_23, %dma_start3A_24] : memref<8192x256xf32, #tpu.memory_space<hbm>> -> memref<8192x256xf32, #tpu.memory_space<hbm>>
    tpu.enqueue_indirect_dma source(%dma_start3A_25 : memref<8192x256xf32, #tpu.memory_space<hbm>>) target(%dma_start3A_19 : memref<128x256xf32, #tpu.memory_space<vmem>>) offsets(%dma_start3A_22 : memref<128xi32, #tpu.memory_space<vmem>>) semaphore(%arg12 : memref<!tpu.dma_semaphore, #tpu.memory_space<semaphore_mem>>)
    "tpu.region"() ({
      %run_scoped3A_52 = tpu.sem_alloc : memref<!tpu.dma_semaphore, #tpu.memory_space<semaphore_mem>>
      tpu.enqueue_dma source(%arg4 : memref<128xf32, #tpu.memory_space<hbm>>) target(%arg10 : memref<128xf32, #tpu.memory_space<vmem>>) target_semaphore(%run_scoped3A_52 : memref<!tpu.dma_semaphore, #tpu.memory_space<semaphore_mem>>)
      tpu.wait_dma2 semaphore(%run_scoped3A_52 : memref<!tpu.dma_semaphore, #tpu.memory_space<semaphore_mem>>) src(%arg4 : memref<128xf32, #tpu.memory_space<hbm>>) dst(%arg10 : memref<128xf32, #tpu.memory_space<vmem>>)
      tpu.yield
    }) : () -> ()
    %run_scoped3A = arith.constant 0 : i32
    "tpu.region"() ({
      %run_scoped3A_52 = tpu.sem_alloc : memref<!tpu.dma_semaphore, #tpu.memory_space<semaphore_mem>>
      %dma_start3A_53 = arith.constant 0 : i32
      %dma_start3A_54 = tpu.memref_slice %arg9[%run_scoped3A, %dma_start3A_53] : memref<2x128xi32, #tpu.memory_space<vmem>> -> memref<1x128xi32, #tpu.memory_space<vmem>>
      %dma_start3A_55 = tpu.memref_squeeze %dma_start3A_54 : memref<1x128xi32, #tpu.memory_space<vmem>> -> memref<128xi32, #tpu.memory_space<vmem>>
      %dma_start3A_56 = arith.constant 0 : i32
      %dma_start3A_57 = tpu.memref_slice %arg11[%dma_start3A_56] : memref<8192xf32, #tpu.memory_space<vmem_shared>> -> memref<8192xf32, #tpu.memory_space<vmem_shared>>
      tpu.enqueue_indirect_dma source(%arg10 : memref<128xf32, #tpu.memory_space<vmem>>) target(%dma_start3A_57 : memref<8192xf32, #tpu.memory_space<vmem_shared>>) offsets(%dma_start3A_55 : memref<128xi32, #tpu.memory_space<vmem>>) semaphore(%run_scoped3A_52 : memref<!tpu.dma_semaphore, #tpu.memory_space<semaphore_mem>>) {add = true}
      %dma_wait3A_58 = arith.constant 0 : i32
      %dma_wait3A_59 = tpu.memref_slice %arg9[%run_scoped3A, %dma_wait3A_58] : memref<2x128xi32, #tpu.memory_space<vmem>> -> memref<1x128xi32, #tpu.memory_space<vmem>>
      %dma_wait3A_60 = tpu.memref_squeeze %dma_wait3A_59 : memref<1x128xi32, #tpu.memory_space<vmem>> -> memref<128xi32, #tpu.memory_space<vmem>>
      %dma_wait3A_61 = arith.constant 0 : i32
      %dma_wait3A_62 = tpu.memref_slice %arg11[%dma_wait3A_61] : memref<8192xf32, #tpu.memory_space<vmem_shared>> -> memref<8192xf32, #tpu.memory_space<vmem_shared>>
      tpu.wait_indirect_dma semaphore(%run_scoped3A_52 : memref<!tpu.dma_semaphore, #tpu.memory_space<semaphore_mem>>) src(%arg10 : memref<128xf32, #tpu.memory_space<vmem>>) dst(%dma_wait3A_62 : memref<8192xf32, #tpu.memory_space<vmem_shared>>)
      tpu.yield
    }) : () -> ()
    %run_scoped3A_26 = arith.constant 1 : i32
    "tpu.region"() ({
      %run_scoped3A_52 = tpu.sem_alloc : memref<!tpu.dma_semaphore, #tpu.memory_space<semaphore_mem>>
      %dma_start3A_53 = arith.constant 0 : i32
      %dma_start3A_54 = tpu.memref_slice %arg9[%run_scoped3A_26, %dma_start3A_53] : memref<2x128xi32, #tpu.memory_space<vmem>> -> memref<1x128xi32, #tpu.memory_space<vmem>>
      %dma_start3A_55 = tpu.memref_squeeze %dma_start3A_54 : memref<1x128xi32, #tpu.memory_space<vmem>> -> memref<128xi32, #tpu.memory_space<vmem>>
      %dma_start3A_56 = arith.constant 0 : i32
      %dma_start3A_57 = tpu.memref_slice %arg11[%dma_start3A_56] : memref<8192xf32, #tpu.memory_space<vmem_shared>> -> memref<8192xf32, #tpu.memory_space<vmem_shared>>
      tpu.enqueue_indirect_dma source(%arg10 : memref<128xf32, #tpu.memory_space<vmem>>) target(%dma_start3A_57 : memref<8192xf32, #tpu.memory_space<vmem_shared>>) offsets(%dma_start3A_55 : memref<128xi32, #tpu.memory_space<vmem>>) semaphore(%run_scoped3A_52 : memref<!tpu.dma_semaphore, #tpu.memory_space<semaphore_mem>>) {add = true}
      %dma_wait3A_58 = arith.constant 0 : i32
      %dma_wait3A_59 = tpu.memref_slice %arg9[%run_scoped3A_26, %dma_wait3A_58] : memref<2x128xi32, #tpu.memory_space<vmem>> -> memref<1x128xi32, #tpu.memory_space<vmem>>
      %dma_wait3A_60 = tpu.memref_squeeze %dma_wait3A_59 : memref<1x128xi32, #tpu.memory_space<vmem>> -> memref<128xi32, #tpu.memory_space<vmem>>
      %dma_wait3A_61 = arith.constant 0 : i32
      %dma_wait3A_62 = tpu.memref_slice %arg11[%dma_wait3A_61] : memref<8192xf32, #tpu.memory_space<vmem_shared>> -> memref<8192xf32, #tpu.memory_space<vmem_shared>>
      tpu.wait_indirect_dma semaphore(%run_scoped3A_52 : memref<!tpu.dma_semaphore, #tpu.memory_space<semaphore_mem>>) src(%arg10 : memref<128xf32, #tpu.memory_space<vmem>>) dst(%dma_wait3A_62 : memref<8192xf32, #tpu.memory_space<vmem_shared>>)
      tpu.yield
    }) : () -> ()
    %dma_wait3A = arith.constant 0 : i32
    %dma_wait3A_27 = arith.constant 0 : i32
    %dma_wait3A_28 = arith.constant 0 : i32
    %dma_wait3A_29 = tpu.memref_slice %arg8[%dma_wait3A_27, %dma_wait3A_28] : memref<256x256xf32, #tpu.memory_space<vmem>> -> memref<128x256xf32, #tpu.memory_space<vmem>>
    %dma_wait3A_30 = arith.constant 0 : i32
    %dma_wait3A_31 = tpu.memref_slice %arg9[%dma_wait3A, %dma_wait3A_30] : memref<2x128xi32, #tpu.memory_space<vmem>> -> memref<1x128xi32, #tpu.memory_space<vmem>>
    %dma_wait3A_32 = tpu.memref_squeeze %dma_wait3A_31 : memref<1x128xi32, #tpu.memory_space<vmem>> -> memref<128xi32, #tpu.memory_space<vmem>>
    %dma_wait3A_33 = arith.constant 0 : i32
    %dma_wait3A_34 = arith.constant 0 : i32
    %dma_wait3A_35 = tpu.memref_slice %arg2[%dma_wait3A_33, %dma_wait3A_34] : memref<8192x256xf32, #tpu.memory_space<hbm>> -> memref<8192x256xf32, #tpu.memory_space<hbm>>
    tpu.wait_indirect_dma semaphore(%arg12 : memref<!tpu.dma_semaphore, #tpu.memory_space<semaphore_mem>>) src(%dma_wait3A_35 : memref<8192x256xf32, #tpu.memory_space<hbm>>) dst(%dma_wait3A_29 : memref<128x256xf32, #tpu.memory_space<vmem>>)
    %dma_wait3A_36 = arith.constant 1 : i32
    %dma_wait3A_37 = arith.constant 128 : i32
    %dma_wait3A_38 = arith.constant 0 : i32
    %dma_wait3A_39 = tpu.memref_slice %arg8[%dma_wait3A_37, %dma_wait3A_38] : memref<256x256xf32, #tpu.memory_space<vmem>> -> memref<128x256xf32, #tpu.memory_space<vmem>>
    %dma_wait3A_40 = arith.constant 0 : i32
    %dma_wait3A_41 = tpu.memref_slice %arg9[%dma_wait3A_36, %dma_wait3A_40] : memref<2x128xi32, #tpu.memory_space<vmem>> -> memref<1x128xi32, #tpu.memory_space<vmem>>
    %dma_wait3A_42 = tpu.memref_squeeze %dma_wait3A_41 : memref<1x128xi32, #tpu.memory_space<vmem>> -> memref<128xi32, #tpu.memory_space<vmem>>
    %dma_wait3A_43 = arith.constant 0 : i32
    %dma_wait3A_44 = arith.constant 0 : i32
    %dma_wait3A_45 = tpu.memref_slice %arg2[%dma_wait3A_43, %dma_wait3A_44] : memref<8192x256xf32, #tpu.memory_space<hbm>> -> memref<8192x256xf32, #tpu.memory_space<hbm>>
    tpu.wait_indirect_dma semaphore(%arg12 : memref<!tpu.dma_semaphore, #tpu.memory_space<semaphore_mem>>) src(%dma_wait3A_45 : memref<8192x256xf32, #tpu.memory_space<hbm>>) dst(%dma_wait3A_39 : memref<128x256xf32, #tpu.memory_space<vmem>>)
    "tpu.region"() ({
      %run_scoped3A_52 = tpu.sem_alloc : memref<!tpu.dma_semaphore, #tpu.memory_space<semaphore_mem>>
      %dma_start3A_53 = arith.constant 0 : i32
      %dma_start3A_54 = tpu.memref_slice %arg6[%mul3A_2, %dma_start3A_53] : memref<8192x256xf32, #tpu.memory_space<hbm>> -> memref<256x256xf32, #tpu.memory_space<hbm>>
      %dma_start3A_55 = arith.constant 0 : i32
      %dma_start3A_56 = tpu.memref_slice %arg6[%mul3A_2, %dma_start3A_55] : memref<8192x256xf32, #tpu.memory_space<hbm>> -> memref<256x256xf32, #tpu.memory_space<hbm>>
      tpu.enqueue_dma source(%arg8 : memref<256x256xf32, #tpu.memory_space<vmem>>) target(%dma_start3A_56 : memref<256x256xf32, #tpu.memory_space<hbm>>) target_semaphore(%run_scoped3A_52 : memref<!tpu.dma_semaphore, #tpu.memory_space<semaphore_mem>>)
      %dma_wait3A_57 = arith.constant 0 : i32
      %dma_wait3A_58 = tpu.memref_slice %arg6[%mul3A_2, %dma_wait3A_57] : memref<8192x256xf32, #tpu.memory_space<hbm>> -> memref<256x256xf32, #tpu.memory_space<hbm>>
      %dma_wait3A_59 = arith.constant 0 : i32
      %dma_wait3A_60 = tpu.memref_slice %arg6[%mul3A_2, %dma_wait3A_59] : memref<8192x256xf32, #tpu.memory_space<hbm>> -> memref<256x256xf32, #tpu.memory_space<hbm>>
      tpu.wait_dma2 semaphore(%run_scoped3A_52 : memref<!tpu.dma_semaphore, #tpu.memory_space<semaphore_mem>>) src(%arg8 : memref<256x256xf32, #tpu.memory_space<vmem>>) dst(%dma_wait3A_60 : memref<256x256xf32, #tpu.memory_space<hbm>>)
      tpu.yield
    }) : () -> ()
    %barrier3A_46 = arith.constant 0 : index
    tpu.barrier barrier_id(%barrier3A_46)
    %eq3A_47 = arith.constant 0 : i32
    %eq3A_48 = arith.cmpi eq, %arg1, %eq3A_47 : i32
    %convert_element_type3A_49 = arith.extui %eq3A_48 : i1 to i32
    %cond3A_50 = arith.constant 0 : i32
    %cond3A_51 = arith.cmpi ne, %convert_element_type3A_49, %cond3A_50 : i32
    scf.if %cond3A_51 {
      "tpu.region"() ({
        %run_scoped3A_52 = tpu.sem_alloc : memref<!tpu.dma_semaphore, #tpu.memory_space<semaphore_mem>>
        %dma_start3A_53 = arith.constant 0 : i32
        %dma_start3A_54 = tpu.memref_slice %arg7[%arg0, %dma_start3A_53] : memref<2x8192xf32, #tpu.memory_space<hbm>> -> memref<1x8192xf32, #tpu.memory_space<hbm>>
        %dma_start3A_55 = tpu.memref_squeeze %dma_start3A_54 : memref<1x8192xf32, #tpu.memory_space<hbm>> -> memref<8192xf32, #tpu.memory_space<hbm>>
        tpu.enqueue_dma source(%arg11 : memref<8192xf32, #tpu.memory_space<vmem_shared>>) target(%dma_start3A_55 : memref<8192xf32, #tpu.memory_space<hbm>>) target_semaphore(%run_scoped3A_52 : memref<!tpu.dma_semaphore, #tpu.memory_space<semaphore_mem>>)
        %dma_wait3A_56 = arith.constant 0 : i32
        %dma_wait3A_57 = tpu.memref_slice %arg7[%arg0, %dma_wait3A_56] : memref<2x8192xf32, #tpu.memory_space<hbm>> -> memref<1x8192xf32, #tpu.memory_space<hbm>>
        %dma_wait3A_58 = tpu.memref_squeeze %dma_wait3A_57 : memref<1x8192xf32, #tpu.memory_space<hbm>> -> memref<8192xf32, #tpu.memory_space<hbm>>
        tpu.wait_dma2 semaphore(%run_scoped3A_52 : memref<!tpu.dma_semaphore, #tpu.memory_space<semaphore_mem>>) src(%arg11 : memref<8192xf32, #tpu.memory_space<vmem_shared>>) dst(%dma_wait3A_58 : memref<8192xf32, #tpu.memory_space<hbm>>)
        tpu.yield
      }) : () -> ()
    } else {
    }
    return
  }
}

module attributes {stable_mosaic.version = 14 : i64} {
  func.func @_assign_body(%arg0: i32, %arg1: memref<512x256xf32, #tpu.memory_space<vmem>>, %arg2: memref<256x8192xf32, #tpu.memory_space<vmem>>, %arg3: memref<256x8192xbf16, #tpu.memory_space<vmem>>, %arg4: memref<1x1x512xi32, #tpu.memory_space<vmem>>, %arg5: memref<1x1xf32, #tpu.memory_space<vmem>>, %arg6: memref<1x8192xf32, #tpu.memory_space<vmem>>, %arg7: memref<1x1xf32, #tpu.memory_space<vmem>>) attributes {dimension_semantics = [#tpu.dimension_semantics<arbitrary>], iteration_bounds = array<i64: 16>, scalar_prefetch = 0 : i64, scratch_operands = 2 : i64, tpu.core_type = #tpu.core_type<tc>, window_params = [{transform_indices = @transform_0, window_bounds = array<i64: 512, 256>}, {pipeline_mode = #tpu.pipeline_mode<synchronous>, transform_indices = @transform_1, window_bounds = array<i64: 256, 8192>}, {pipeline_mode = #tpu.pipeline_mode<synchronous>, transform_indices = @transform_2, window_bounds = array<i64: 256, 8192>}, {transform_indices = @transform_3, window_bounds = array<i64: 1, 1, 512>}, {pipeline_mode = #tpu.pipeline_mode<synchronous>, transform_indices = @transform_4, window_bounds = array<i64: 1, 1>}]} {
    %eq3A = arith.constant 0 : i32
    %eq3A_0 = arith.cmpi eq, %arg0, %eq3A : i32
    %convert_element_type3A = arith.extui %eq3A_0 : i1 to i32
    %cond3A = arith.constant 0 : i32
    %cond3A_1 = arith.cmpi ne, %convert_element_type3A, %cond3A : i32
    scf.if %cond3A_1 {
      %get3A_71 = arith.constant 0 : index
      %get3A_72 = arith.constant 0 : index
      %get3A_73 = vector.load %arg2[%get3A_71, %get3A_72] : memref<256x8192xf32, #tpu.memory_space<vmem>>, vector<256x8192xf32>
      %mul3A_74 = arith.mulf %get3A_73, %get3A_73 : vector<256x8192xf32>
      %reduce_sum3A_75 = arith.constant dense<0.000000e+00> : vector<8192xf32>
      %reduce_sum3A_76 = vector.multi_reduction <add>, %mul3A_74, %reduce_sum3A_75 [0] : vector<256x8192xf32> to vector<8192xf32>
      %broadcast_in_dim3A_77 = vector.shape_cast %reduce_sum3A_76 : vector<8192xf32> to vector<1x8192xf32>
      %swap3A_78 = arith.constant 0 : index
      %swap3A_79 = arith.constant 0 : index
      %swap3A_80 = vector.load %arg6[%swap3A_78, %swap3A_79] : memref<1x8192xf32, #tpu.memory_space<vmem>>, vector<1x8192xf32>
      tpu.vector_store %arg6[%swap3A_78, %swap3A_79], %broadcast_in_dim3A_77 {strides = array<i32>} : memref<1x8192xf32, #tpu.memory_space<vmem>>, vector<1x8192xf32>,
      %broadcast_in_dim3A_81 = arith.constant 0.000000e+00 : f32
      %broadcast_in_dim3A_82 = vector.broadcast %broadcast_in_dim3A_81 : f32 to vector<1x1xf32>
      %swap3A_83 = arith.constant 0 : index
      %swap3A_84 = arith.constant 0 : index
      %swap3A_85 = vector.load %arg7[%swap3A_83, %swap3A_84] : memref<1x1xf32, #tpu.memory_space<vmem>>, vector<1x1xf32>
      tpu.vector_store %arg7[%swap3A_83, %swap3A_84], %broadcast_in_dim3A_82 {strides = array<i32>} : memref<1x1xf32, #tpu.memory_space<vmem>>, vector<1x1xf32>,
    } else {
    }
    %get3A = arith.constant 0 : index
    %get3A_2 = arith.constant 0 : index
    %get3A_3 = vector.load %arg1[%get3A, %get3A_2] : memref<512x256xf32, #tpu.memory_space<vmem>>, vector<512x256xf32>
    %mul3A = arith.mulf %get3A_3, %get3A_3 : vector<512x256xf32>
    %reduce_sum3A = arith.constant dense<0.000000e+00> : vector<512xf32>
    %reduce_sum3A_4 = vector.multi_reduction <add>, %mul3A, %reduce_sum3A [1] : vector<512x256xf32> to vector<512xf32>
    %broadcast_in_dim3A = vector.shape_cast %reduce_sum3A_4 : vector<512xf32> to vector<512x1xf32>
    %convert_element_type3A_5 = arith.truncf %get3A_3 : vector<512x256xf32> to vector<512x256xbf16>
    %get3A_6 = arith.constant 0 : index
    %get3A_7 = arith.constant 0 : index
    %get3A_8 = vector.load %arg3[%get3A_6, %get3A_7] : memref<256x8192xbf16, #tpu.memory_space<vmem>>, vector<256x8192xbf16>
    %dot_general3A = arith.constant dense<0.000000e+00> : vector<512x8192xf32>
    %dot_general3A_9 = tpu.matmul %convert_element_type3A_5, %get3A_8, %dot_general3A {dimension_numbers = #tpu.dot_dimension_numbers<[1], [0], [0], [1], [0, 0, 1, 1], [], []>, transpose_lhs_hint = false} : vector<512x256xbf16>, vector<256x8192xbf16>, vector<512x8192xf32> -> vector<512x8192xf32>
    %mul3A_10 = arith.constant 2.000000e+00 : f32
    %mul3A_11 = vector.broadcast %mul3A_10 : f32 to vector<512x8192xf32>
    %mul3A_12 = arith.mulf %mul3A_11, %dot_general3A_9 : vector<512x8192xf32>
    %sub3A = vector.broadcast %broadcast_in_dim3A : vector<512x1xf32> to vector<512x8192xf32>
    %sub3A_13 = arith.subf %sub3A, %mul3A_12 : vector<512x8192xf32>
    %get3A_14 = arith.constant 0 : index
    %get3A_15 = arith.constant 0 : index
    %get3A_16 = vector.load %arg6[%get3A_14, %get3A_15] : memref<1x8192xf32, #tpu.memory_space<vmem>>, vector<1x8192xf32>
    %add3A = vector.broadcast %get3A_16 : vector<1x8192xf32> to vector<512x8192xf32>
    %add3A_17 = arith.addf %sub3A_13, %add3A : vector<512x8192xf32>
    %slice3A = vector.extract_strided_slice %add3A_17 {offsets = [0, 0], sizes = [512, 2816], strides = [1, 1]} : vector<512x8192xf32> to vector<512x2816xf32>
    %reduce_min3A = arith.constant dense<0x7F800000> : vector<512xf32>
    %reduce_min3A_18 = vector.multi_reduction <minimumf>, %slice3A, %reduce_min3A [1] : vector<512x2816xf32> to vector<512xf32>
    %broadcast_in_dim3A_19 = vector.shape_cast %reduce_min3A_18 : vector<512xf32> to vector<512x1xf32>
    %argmin3A = tpu.reduce_index %slice3A {axis = 1 : i32, kind = #tpu.reduction_kind<arg_min>} : vector<512x2816xf32> -> vector<512xi32>
    %add3A_20 = arith.constant 0 : i32
    %add3A_21 = vector.broadcast %add3A_20 : i32 to vector<512xi32>
    %add3A_22 = arith.addi %argmin3A, %add3A_21 : vector<512xi32>
    %reshape3A = vector.shape_cast %add3A_22 : vector<512xi32> to vector<512x1xi32>
    %convert_element_type3A_23 = arith.truncf %broadcast_in_dim3A_19 : vector<512x1xf32> to vector<512x1xbf16>
    %convert_element_type3A_24 = arith.extf %convert_element_type3A_23 : vector<512x1xbf16> to vector<512x1xf32>
    %slice3A_25 = vector.extract_strided_slice %add3A_17 {offsets = [0, 2816], sizes = [512, 2816], strides = [1, 1]} : vector<512x8192xf32> to vector<512x2816xf32>
    %reduce_min3A_26 = arith.constant dense<0x7F800000> : vector<512xf32>
    %reduce_min3A_27 = vector.multi_reduction <minimumf>, %slice3A_25, %reduce_min3A_26 [1] : vector<512x2816xf32> to vector<512xf32>
    %broadcast_in_dim3A_28 = vector.shape_cast %reduce_min3A_27 : vector<512xf32> to vector<512x1xf32>
    %argmin3A_29 = tpu.reduce_index %slice3A_25 {axis = 1 : i32, kind = #tpu.reduction_kind<arg_min>} : vector<512x2816xf32> -> vector<512xi32>
    %add3A_30 = arith.constant 2816 : i32
    %add3A_31 = vector.broadcast %add3A_30 : i32 to vector<512xi32>
    %add3A_32 = arith.addi %argmin3A_29, %add3A_31 : vector<512xi32>
    %reshape3A_33 = vector.shape_cast %add3A_32 : vector<512xi32> to vector<512x1xi32>
    %min3A = arith.minimumf %broadcast_in_dim3A_19, %broadcast_in_dim3A_28 : vector<512x1xf32>
    %lt3A = arith.cmpf olt, %broadcast_in_dim3A_28, %convert_element_type3A_24 : vector<512x1xf32>
    %select_n3A = arith.select %lt3A, %reshape3A_33, %reshape3A : vector<512x1xi1>, vector<512x1xi32>
    %select_n3A_34 = arith.select %lt3A, %broadcast_in_dim3A_28, %convert_element_type3A_24 : vector<512x1xi1>, vector<512x1xf32>
    %convert_element_type3A_35 = arith.truncf %select_n3A_34 : vector<512x1xf32> to vector<512x1xbf16>
    %convert_element_type3A_36 = arith.extf %convert_element_type3A_35 : vector<512x1xbf16> to vector<512x1xf32>
    %slice3A_37 = vector.extract_strided_slice %add3A_17 {offsets = [0, 5632], sizes = [512, 2560], strides = [1, 1]} : vector<512x8192xf32> to vector<512x2560xf32>
    %reduce_min3A_38 = arith.constant dense<0x7F800000> : vector<512xf32>
    %reduce_min3A_39 = vector.multi_reduction <minimumf>, %slice3A_37, %reduce_min3A_38 [1] : vector<512x2560xf32> to vector<512xf32>
    %broadcast_in_dim3A_40 = vector.shape_cast %reduce_min3A_39 : vector<512xf32> to vector<512x1xf32>
    %argmin3A_41 = tpu.reduce_index %slice3A_37 {axis = 1 : i32, kind = #tpu.reduction_kind<arg_min>} : vector<512x2560xf32> -> vector<512xi32>
    %add3A_42 = arith.constant 5632 : i32
    %add3A_43 = vector.broadcast %add3A_42 : i32 to vector<512xi32>
    %add3A_44 = arith.addi %argmin3A_41, %add3A_43 : vector<512xi32>
    %reshape3A_45 = vector.shape_cast %add3A_44 : vector<512xi32> to vector<512x1xi32>
    %min3A_46 = arith.minimumf %min3A, %broadcast_in_dim3A_40 : vector<512x1xf32>
    %lt3A_47 = arith.cmpf olt, %broadcast_in_dim3A_40, %convert_element_type3A_36 : vector<512x1xf32>
    %select_n3A_48 = arith.select %lt3A_47, %reshape3A_45, %select_n3A : vector<512x1xi1>, vector<512x1xi32>
    %reshape3A_49 = vector.shape_cast %select_n3A_48 : vector<512x1xi32> to vector<1x1x512xi32>
    %swap3A = arith.constant 0 : index
    %swap3A_50 = arith.constant 0 : index
    %swap3A_51 = arith.constant 0 : index
    %swap3A_52 = vector.load %arg4[%swap3A, %swap3A_50, %swap3A_51] : memref<1x1x512xi32, #tpu.memory_space<vmem>>, vector<1x1x512xi32>
    tpu.vector_store %arg4[%swap3A, %swap3A_50, %swap3A_51], %reshape3A_49 {strides = array<i32>} : memref<1x1x512xi32, #tpu.memory_space<vmem>>, vector<1x1x512xi32>,
    %get3A_53 = arith.constant 0 : index
    %get3A_54 = arith.constant 0 : index
    %get3A_55 = vector.load %arg7[%get3A_53, %get3A_54] : memref<1x1xf32, #tpu.memory_space<vmem>>, vector<1x1xf32>
    %reduce_sum3A_56 = vector.shape_cast %min3A_46 : vector<512x1xf32> to vector<1x512x1xf32>
    %reduce_sum3A_57 = arith.constant dense<0.000000e+00> : vector<1xf32>
    %reduce_sum3A_58 = vector.multi_reduction <add>, %reduce_sum3A_56, %reduce_sum3A_57 [1, 2] : vector<1x512x1xf32> to vector<1xf32>
    %reduce_sum3A_59 = vector.shape_cast %reduce_sum3A_58 : vector<1xf32> to vector<1x1x1xf32>
    %reduce_sum3A_60 = vector.extract %reduce_sum3A_59[0, 0, 0] : f32 from vector<1x1x1xf32>
    %reshape3A_61 = vector.broadcast %reduce_sum3A_60 : f32 to vector<1x1xf32>
    %add3A_62 = arith.addf %get3A_55, %reshape3A_61 : vector<1x1xf32>
    %swap3A_63 = arith.constant 0 : index
    %swap3A_64 = arith.constant 0 : index
    %swap3A_65 = vector.load %arg7[%swap3A_63, %swap3A_64] : memref<1x1xf32, #tpu.memory_space<vmem>>, vector<1x1xf32>
    tpu.vector_store %arg7[%swap3A_63, %swap3A_64], %add3A_62 {strides = array<i32>} : memref<1x1xf32, #tpu.memory_space<vmem>>, vector<1x1xf32>,
    %eq3A_66 = arith.constant 15 : i32
    %eq3A_67 = arith.cmpi eq, %arg0, %eq3A_66 : i32
    %convert_element_type3A_68 = arith.extui %eq3A_67 : i1 to i32
    %cond3A_69 = arith.constant 0 : i32
    %cond3A_70 = arith.cmpi ne, %convert_element_type3A_68, %cond3A_69 : i32
    scf.if %cond3A_70 {
      %get3A_71 = arith.constant 0 : index
      %get3A_72 = arith.constant 0 : index
      %get3A_73 = vector.load %arg7[%get3A_71, %get3A_72] : memref<1x1xf32, #tpu.memory_space<vmem>>, vector<1x1xf32>
      %mul3A_74 = arith.constant 1.1920929E-7 : f32
      %mul3A_75 = vector.broadcast %mul3A_74 : f32 to vector<1x1xf32>
      %mul3A_76 = arith.mulf %get3A_73, %mul3A_75 : vector<1x1xf32>
      %swap3A_77 = arith.constant 0 : index
      %swap3A_78 = arith.constant 0 : index
      %swap3A_79 = vector.load %arg5[%swap3A_77, %swap3A_78] : memref<1x1xf32, #tpu.memory_space<vmem>>, vector<1x1xf32>
      tpu.vector_store %arg5[%swap3A_77, %swap3A_78], %mul3A_76 {strides = array<i32>} : memref<1x1xf32, #tpu.memory_space<vmem>>, vector<1x1xf32>,
    } else {
    }
    return
  }
  func.func @transform_0(%arg0: i32) -> (i32, i32) {
    %c0_i32 = arith.constant 0 : i32
    %c0_i32_0 = arith.constant 0 : i32
    return %arg0, %c0_i32 : i32, i32
  }
  func.func @transform_1(%arg0: i32) -> (i32, i32) {
    %c0_i32 = arith.constant 0 : i32
    %c0_i32_0 = arith.constant 0 : i32
    %c0_i32_1 = arith.constant 0 : i32
    return %c0_i32, %c0_i32_0 : i32, i32
  }
  func.func @transform_2(%arg0: i32) -> (i32, i32) {
    %c0_i32 = arith.constant 0 : i32
    %c0_i32_0 = arith.constant 0 : i32
    %c0_i32_1 = arith.constant 0 : i32
    return %c0_i32, %c0_i32_0 : i32, i32
  }
  func.func @transform_3(%arg0: i32) -> (i32, i32, i32) {
    %c0_i32 = arith.constant 0 : i32
    %c0_i32_0 = arith.constant 0 : i32
    %c0_i32_1 = arith.constant 0 : i32
    return %arg0, %c0_i32, %c0_i32_0 : i32, i32, i32
  }
  func.func @transform_4(%arg0: i32) -> (i32, i32) {
    %c0_i32 = arith.constant 0 : i32
    %c0_i32_0 = arith.constant 0 : i32
    %c0_i32_1 = arith.constant 0 : i32
    return %c0_i32, %c0_i32_0 : i32, i32
  }
}

module attributes {stable_mosaic.version = 14 : i64} {
  func.func @_perp_body(%arg0: memref<2x8192xf32, #tpu.memory_space<vmem>>, %arg1: memref<1x1xf32, #tpu.memory_space<vmem>>) attributes {dimension_semantics = [], scalar_prefetch = 0 : i64, scratch_operands = 0 : i64, tpu.core_type = #tpu.core_type<tc>} {
    %get3A = arith.constant 0 : index
    %get3A_0 = arith.constant 0 : index
    %get3A_1 = vector.load %arg0[%get3A, %get3A_0] : memref<2x8192xf32, #tpu.memory_space<vmem>>, vector<1x8192xf32>
    %get3A_2 = arith.constant 1 : index
    %get3A_3 = arith.constant 0 : index
    %get3A_4 = vector.load %arg0[%get3A_2, %get3A_3] : memref<2x8192xf32, #tpu.memory_space<vmem>>, vector<1x8192xf32>
    %add3A = arith.addf %get3A_1, %get3A_4 : vector<1x8192xf32>
    %mul3A = arith.constant 1.22070313E-4 : f32
    %mul3A_5 = vector.broadcast %mul3A : f32 to vector<1x8192xf32>
    %mul3A_6 = arith.mulf %add3A, %mul3A_5 : vector<1x8192xf32>
    %add3A_7 = arith.constant 1.000000e-10 : f32
    %add3A_8 = vector.broadcast %add3A_7 : f32 to vector<1x8192xf32>
    %add3A_9 = arith.addf %mul3A_6, %add3A_8 : vector<1x8192xf32>
    %log3A = math.log %add3A_9 : vector<1x8192xf32>
    %mul3A_10 = arith.mulf %mul3A_6, %log3A : vector<1x8192xf32>
    %reduce_sum3A = vector.shape_cast %mul3A_10 : vector<1x8192xf32> to vector<1x1x8192xf32>
    %reduce_sum3A_11 = arith.constant dense<0.000000e+00> : vector<1xf32>
    %reduce_sum3A_12 = vector.multi_reduction <add>, %reduce_sum3A, %reduce_sum3A_11 [1, 2] : vector<1x1x8192xf32> to vector<1xf32>
    %reduce_sum3A_13 = vector.shape_cast %reduce_sum3A_12 : vector<1xf32> to vector<1x1x1xf32>
    %reduce_sum3A_14 = vector.extract %reduce_sum3A_13[0, 0, 0] : f32 from vector<1x1x1xf32>
    %neg3A = arith.constant 0.000000e+00 : f32
    %neg3A_15 = arith.subf %neg3A, %reduce_sum3A_14 : f32
    %exp3A = math.exp %neg3A_15 : f32
    %reshape3A = vector.broadcast %exp3A : f32 to vector<1x1xf32>
    %swap3A = arith.constant 0 : index
    %swap3A_16 = arith.constant 0 : index
    %swap3A_17 = vector.load %arg1[%swap3A, %swap3A_16] : memref<1x1xf32, #tpu.memory_space<vmem>>, vector<1x1xf32>
    tpu.vector_store %arg1[%swap3A, %swap3A_16], %reshape3A {strides = array<i32>} : memref<1x1xf32, #tpu.memory_space<vmem>>, vector<1x1xf32>,
    return
  }
}

</mosaic_0001>

<sc_bundles>
// kernel: kernel.5.cloned.1.call-start
scs
__scs_entry_jumppad:
0x0: {  	(pc) =	sbr.rel $0x88, $3  }
0x1: {  	(tag) =	ssettag $0x0;
	lr =	simm.s32 $0x1  }
0x2: {  	[smem:$0x3F9F] =	sst lr;
	_ =	strace $0xD0000000  }
0x3: {  	_ = 	snop  }
0x4: {  	_ = 	snop  }
0x5: {  	_ = 	snop  }
0x6: {  	_ = 	snop  }
0x7: {  	_ = 	snop  }
__scs_overlays_trampoline_lowered:
0x8: {  	[smem:$0x3FAE] =	sst s0  }
0x9: {  	[smem:$0x3FAF] =	sst s1  }
0xa: {  	[smem:$0x3FB0] =	sst s2  }
0xb: {  	[smem:$0x3FB1] =	sst s3  }
0xc: {  	[smem:$0x3FB2] =	sst s4  }
0xd: {  	[smem:$0x3FB3] =	sst s5  }
0xe: {  	[smem:$0x3FB4] =	sst s6  }
0xf: {  	[smem:$0x3FB5] =	sst s7  }
0x10: {  	[smem:$0x3FB6] =	sst s8  }
0x11: {  	[smem:$0x3FB7] =	sst s9;
	s0 =	simm.s32 @!p0 $0x0  }
0x12: {  	s1 =	sld [smem:$0x3F9D];
	s0 =	simm.s32 @p0 $0x1  }
0x13: {  	[smem:$0x3FB8] =	sst s0;
	s0 =	simm.s32 @!p1 $0x0  }
0x14: {  	s2 =	sld [smem:$0x3F9C];
	s0 =	simm.s32 @p1 $0x1  }
0x15: {  	[smem:$0x3FB9] =	sst s0;
	s0 =	simm.s32 @!p2 $0x0  }
0x16: {  	s3 =	sld [smem:$0x3FDB];
	s0 =	simm.s32 @p2 $0x1  }
0x17: {  	s4 =	simm.s32 $0x1BF5;
	[smem:$0x3FBB] =	sst s0  }
0x18: {  	s0 =	sld [smem:$0x3F9E];
	_ =	swait.ge [sflag:s4], $0x0  }
0x19: {  	s7 =	sld [smem:$0x3F9F]  }
0x1a: {  	s8 =	sadd.s32 $0xFFFFE003, lr  }
0x1b: {  	s9 =	sadd.s32 $0xFFFFFEF7, lr;
	s5 =	simm.s32 $0xFFFFFFFF;
	p2 =	slt.u32 s8, $0xFFFFF086  }
0x1c: {  	p1 =	slt.u32 s9, $0xF7A;
	s5 =	simm.s32 @!p2 $0x0  }
0x1d: {  	s5 =	simm.s32 @p1 $0x1;
	p0 =	seq.s32 s7, s2  }
0x1e: {  	s7 =	smul.u32 @!p0 $0xF7A, s2;
	p2 =	seq.s32 @!p0 s5, $0x0  }
0x1f: {  	s9 =	smul.u32 $0xF7A, s1;
	s8 =	simm.s32 @!p0 $0x1BF5;
	p2 =	por !p2, p0  }
0x20: {  	[sflag:s8] =	ssyncset.s32 @!p0 $0xFFFFF086;
	s6 =	sadd.s32 @!p0 s3, s7;
	s7 =	simm.s32 @!p0 $0x108  }
0x21: {  	s3 =	sadd.s32 s3, s9;
	s6 =	sadd.s32 @!p0 $0x88, s6;
	s7 =	simm.s32 @p2 $0x1082  }
0x22: {  	[simem:s7], [sflag:s8] =	dma.local @!p0 [hbm:s6], $0xF7A  }
0x23: {  	s9 =	sor.u32 $0xD0000000, s2;
	s6 =	simm.s32 $0x108;
	_ =	swait.ge @!p0 [sflag:s8], $0x0  }
0x24: {  	s3 =	sadd.s32 $0x88, s3;
	s6 =	simm.s32 @!p1 $0x1082;
	[sflag:s4] =	ssyncset.s32 $0xFFFFF086  }
0x25: {  	[simem:s6], [sflag:s4] =	dma.local [hbm:s3], $0xF7A  }
0x26: {  	[smem:$0x3F9F] =	sst s1;
	(tag) =	ssettag s2;
	_ =	strace s9  }
0x27: {  	s1 =	sld [smem:$0x3FAF]  }
0x28: {  	s2 =	sld [smem:$0x3FB0]  }
0x29: {  	s4 =	sld [smem:$0x3FB2]  }
0x2a: {  	p0 =	seq.s32 s5, $0x0;
	s5 =	sld [smem:$0x3FB3]  }
0x2b: {  	s6 =	sld [smem:$0x3FB4]  }
0x2c: {  	s7 =	sld [smem:$0x3FB5]  }
0x2d: {  	s3 =	simm.s32 $0x108;
	s8 =	sld [smem:$0x3FB6]  }
0x2e: {  	s3 =	simm.s32 @!p0 $0x1082;
	s9 =	sld [smem:$0x3FB7]  }
0x2f: {  	lr =	sadd.s32 s0, s3;
	s0 =	sld [smem:$0x3FAE]  }
0x30: {  	s3 =	sld [smem:$0x3FB1]  }
0x31: {  	[smem:$0x3FBA] =	sst s10  }
0x32: {  	s10 =	sld [smem:$0x3FB8];
	_ =	sdelay $0x3  }
0x33: {  	p0 =	seq.s32 s10, $0x1;
	s10 =	sld [smem:$0x3FBA];
	_ =	sdelay $0x3  }
0x34: {  	[smem:$0x3FBA] =	sst s10  }
0x35: {  	s10 =	sld [smem:$0x3FB9];
	_ =	sdelay $0x3  }
0x36: {  	p1 =	seq.s32 s10, $0x1;
	s10 =	sld [smem:$0x3FBA];
	_ =	sdelay $0x3  }
0x37: {  	[smem:$0x3FBA] =	sst s10  }
0x38: {  	s10 =	sld [smem:$0x3FBB]  }
0x39: {  	_ = 	snop;
	(pc) =	sbr.ind lr, $3  }
0x3a: {  	_ = 	snop  }
0x3b: {  	_ = 	snop  }
0x3c: {  	p2 =	seq.s32 s10, $0x1;
	s10 =	sld [smem:$0x3FBA]  }
0x3d: {  	_ =	shalt  }
0x3e: {  	_ =	shalt  }
0x3f: {  	_ =	shalt  }
0x40: {  	_ =	shalt  }
0x41: {  	_ =	shalt  }
0x42: {  	_ =	shalt  }
0x43: {  	_ =	shalt  }
0x44: {  	_ =	shalt  }
0x45: {  	_ =	shalt  }
0x46: {  	_ =	shalt  }
0x47: {  	_ =	shalt  }
0x48: {  	_ =	shalt  }
0x49: {  	_ =	shalt  }
0x4a: {  	_ =	shalt  }
0x4b: {  	_ =	shalt  }
0x4c: {  	_ =	shalt  }
0x4d: {  	_ =	shalt  }
0x4e: {  	_ =	shalt  }
0x4f: {  	_ =	shalt  }
0x50: {  	_ =	shalt  }
0x51: {  	_ =	shalt  }
0x52: {  	_ =	shalt  }
0x53: {  	_ =	shalt  }
0x54: {  	_ =	shalt  }
0x55: {  	_ =	shalt  }
0x56: {  	_ =	shalt  }
0x57: {  	_ =	shalt  }
0x58: {  	_ =	shalt  }
0x59: {  	_ =	shalt  }
0x5a: {  	_ =	shalt  }
0x5b: {  	_ =	shalt  }
0x5c: {  	_ =	shalt  }
0x5d: {  	_ =	shalt  }
0x5e: {  	_ =	shalt  }
0x5f: {  	_ =	shalt  }
0x60: {  	_ =	shalt  }
0x61: {  	_ =	shalt  }
0x62: {  	_ =	shalt  }
0x63: {  	_ =	shalt  }
0x64: {  	_ =	shalt  }
0x65: {  	_ =	shalt  }
0x66: {  	_ =	shalt  }
0x67: {  	_ =	shalt  }
0x68: {  	_ =	shalt  }
0x69: {  	_ =	shalt  }
0x6a: {  	_ =	shalt  }
0x6b: {  	_ =	shalt  }
0x6c: {  	_ =	shalt  }
0x6d: {  	_ =	shalt  }
0x6e: {  	_ =	shalt  }
0x6f: {  	_ =	shalt  }
0x70: {  	_ =	shalt  }
0x71: {  	_ =	shalt  }
0x72: {  	_ =	shalt  }
0x73: {  	_ =	shalt  }
0x74: {  	_ =	shalt  }
0x75: {  	_ =	shalt  }
0x76: {  	_ =	shalt  }
0x77: {  	_ =	shalt  }
0x78: {  	_ =	shalt  }
0x79: {  	_ =	shalt  }
0x7a: {  	_ =	shalt  }
0x7b: {  	_ =	shalt  }
0x7c: {  	_ =	shalt  }
0x7d: {  	_ =	shalt  }
0x7e: {  	_ =	shalt  }
0x7f: {  	_ =	shalt  }
0x80: {  	_ =	shalt  }
0x81: {  	_ =	shalt  }
0x82: {  	_ =	shalt  }
0x83: {  	_ =	shalt  }
0x84: {  	_ =	shalt  }
0x85: {  	_ =	shalt  }
0x86: {  	_ =	shalt  }
0x87: {  	_ =	shalt  }
.Lfunc_end0:
.L_simem_size_0:
called_computation_lowered:
.L_overlay_start_0:
0x88: {  	s2 =	sld [smem:$0x3FD9]  }
0x89: {  	s3 =	sld [smem:$0x3FFE];
	_ =	sdelay $0x1  }
0x8a: {  	s1 =	srdreg.scid  }
0x8b: {  	s0 =	sand.u32 $0x1, s1  }
0x8c: {  	s14 =	sshll.u32 s0, $0xA;
	s2 =	sadd.s32 s3, s2  }
0x8d: {  	s2 =	sadd.s32 s2, s14  }
0x8e: {  	[smem:$0x3FC6] =	sst s2  }
0x8f: {  	_ = 	snop  }
0x90: {  	s2 =	sld [smem:$0x3FD0];
	_ =	sdelay $0x2  }
0x91: {  	s15 =	simm.s32 $0xA;
	s4 =	simm.s32 $0x10  }
0x92: {  	[smem:s4], [sflag:s15] =	dma.local [hbm:s2], $0x1  }
0x93: {  	_ =	swait.eq [sflag:s15], $0x1  }
0x94: {  	[sflag:s15] =	ssyncset.done $0x0  }
0x95: {  	s16 =	sld [smem:$0x10];
	[sflag:s15] =	ssyncadd.s32 $0xFFFFFFFF  }
0x96: {  	s17 =	sld [smem:$0x12];
	(tm) =	ssettm $0x1  }
0x97: {  	s18 =	sld [smem:$0x3FFB];
	_ =	sdelay $0x3  }
0x98: {  	_ =	strace s18  }
0x99: {  	s4 =	sld [smem:$0x3FFC];
	_ =	sdelay $0x3  }
0x9a: {  	_ =	strace s4  }
0x9b: {  	s4 =	sld [smem:$0x3FFD];
	_ =	sdelay $0x3  }
0x9c: {  	_ =	strace s4  }
0x9d: {  	_ =	strace $0x8FFFFFFF  }
0x9e: {  	s19 =	sld [smem:$0x3FDB];
	_ =	sdelay $0x1  }
0x9f: {  	s5 =	simm.s32 $_scs_section_size  }
0xa0: {  	s6 =	simm.s32 $_size__tile_overlayer_lowered;
	s7 =	simm.s32 $_tile_overlayer_lowered  }
0xa1: {  	s22 =	simm.s32 $0x1BFF;
	s21 =	sshll.u32 s7, $0x1;
	s4 =	sadd.s32 s5, s19  }
0xa2: {  	s8 =	simm.s32 $0x0;
	s20 =	sshll.u32 s6, $0x1;
	s6 =	sadd.s32 s21, s4  }
0xa3: {  	[timem:s8], [sflag:s22] =	dma.local [hbm:s6], s20  }
0xa4: {  	_ =	swait.ge [sflag:s22], s20  }
0xa5: {  	s5 =	ssub.s32 $0x0, s20;
	[sflag:s22] =	ssyncset.done $0x0  }
0xa6: {  	[sflag:s22] =	ssyncadd.s32 s5;
	_ =	sdelay $0x1  }
0xa7: {  	s23 =	simm.s32 $0x1B8B  }
0xa8: {  	_ =	swait.ge [sflag:s23], $0x1  }
0xa9: {  	[sflag:s23] =	ssyncset.done $0x0  }
0xaa: {  	s25 =	simm.s32 $0x1B8E;
	s24 =	sld [smem:$0x3FFE];
	[sflag:s23] =	ssyncadd.s32 $0xFFFFFFFF  }
0xab: {  	s26 =	simm.s32 $execute0_lowered;
	[smem:$0x3FD2] =	sst s25  }
0xac: {  	s6 =	sshll.u32 s26, $0x1;
	_ =	strace $0x80000046;
	[dreg:$0x1] =	wrdreg $0xFFFFFFFF  }
0xad: {  	s28 =	simm.s32 $_size_execute0_lowered;
	s4 =	sadd.s32 s4, s6;
	[dreg:$0x0] =	wrdreg $0x0  }
0xae: {  	s6 =	sshll.u32 s28, $0x1;
	[dreg:$0x2] =	wrdreg s4  }
0xaf: {  	[dreg:$0x3] =	wrdreg s6  }
0xb0: {  	[dreg:$0x4] =	wrdreg $0xC0  }
0xb1: {  	_ =	task [dreg:s8], $0x5FFFF  }
0xb2: {  	[dreg:$0x1] =	wrdreg $0xFFFFFFFF  }
0xb3: {  	[dreg:$0x0] =	wrdreg $0x60  }
0xb4: {  	[dreg:$0x2] =	wrdreg s24  }
0xb5: {  	[dreg:$0x3] =	wrdreg s17  }
0xb6: {  	[dreg:$0x4] =	wrdreg s16  }
0xb7: {  	[dreg:$0x5] =	wrdreg $0x101800  }
0xb8: {  	[dreg:$0x6] =	wrdreg $0x9  }
0xb9: {  	_ =	task.clear_ibuf [dreg:s8], $0x7FFFF;
	_ =	strace $0x90000046  }
0xba: {  	s29 =	simm.s32 $0x9;
	_ =	strace $0x80000048  }
0xbb: {  	_ =	swait.ge [sflag:s29], $0x1  }
0xbc: {  	[sflag:s29] =	ssyncadd.s32 $0xFFFFFFFF  }
0xbd: {  	_ =	strace $0x90000048  }
0xbe: {  	_ =	sfence  }
0xbf: {  	s30 =	sld [smem:$0x0];
	_ =	sdelay $0x2  }
0xc0: {  	s31 =	sshll.u32 s1, $0xD;
	s1 =	sshrl.u32 s1, $0x2  }
0xc1: {  	s3 =	sand.u32 $0x4000, s31;
	s1 =	sadd.s32 s1, s30  }
0xc2: {  	s0 =	sor.u32 s3, s0;
	s1 =	sshll.u32 s1, $0x11  }
0xc3: {  	s0 =	sor.u32 s1, s0  }
0xc4: {  	s0 =	sadd.s32 $0x8F2B, s0  }
0xc5: {  	[sflag:s0] =	ssyncadd.remote.s32 $0x1  }
0xc6: {  	_ =	sfence.sel $0xFFFF  }
0xc7: {  	[dreg:$0x0] =	wrdreg $0xFFFFFFFF;
	(pc) =	sbr.abs _section_cstart, $3  }
0xc8: {  	[dreg:$0x1] =	wrdreg $0xFFFFFFFF  }
0xc9: {  	_ =	task.clear_ibuf [dreg:s8], $0x2FFFF;
	_ =	strace $0x9FFFFFFF  }
0xca: {  	(tm) =	ssettm $0x7FFFFFFF  }
0xcb: {  	_ =	shalt  }
tec
execute0_lowered:
.L_overlay_start_1:
0x0: {  	(tag) =	ssettag $0x1  }
0x1: {  	s3 =	rddreg [dreg:$0x0]  }
0x2: {  	s0 =	rddreg [dreg:$0x1]  }
0x3: {  	s4 =	rddreg [dreg:$0x2]  }
0x4: {  	s1 =	rddreg [dreg:$0x3]  }
0x5: {  	s2 =	simm.s32 $0x0;
	[dreg:$0x5] =	wrdreg s0  }
0x6: {  	[smem:$0x7FF] =	sst s2;
	s9 =	sadd.s32 $0x41C00, s3  }
0x7: {  	s14 =	simm.s32 $0x800;
	_ =	strace $0x80000047;
	[dreg:$0x6] =	wrdreg s9  }
0x8: {  	s15 =	simm.s32 $0x1000;
	[dreg:$0xa] =	wrdreg s14  }
0x9: {  	s16 =	simm.s32 $0x1800;
	[dreg:$0xb] =	wrdreg s15  }
0xa: {  	s17 =	simm.s32 $0x2000;
	[dreg:$0xc] =	wrdreg s16  }
0xb: {  	s18 =	simm.s32 $0x2800;
	[dreg:$0xd] =	wrdreg s17  }
0xc: {  	s5 =	srdreg.scid;
	s19 =	simm.s32 $0x3000;
	[dreg:$0xe] =	wrdreg s18  }
0xd: {  	s6 =	stileid.u32;
	s20 =	simm.s32 $0x3800;
	[dreg:$0xf] =	wrdreg s19  }
0xe: {  	s21 =	simm.s32 $0x4000;
	s22 =	simm.s32 $0x4800;
	[dreg:$0x10] =	wrdreg s20  }
0xf: {  	s23 =	simm.s32 $0x5000;
	s25 =	simm.s32 $0x5800;
	[dreg:$0x11] =	wrdreg s21  }
0x10: {  	s26 =	simm.s32 $0x6000;
	s28 =	simm.s32 $0x6800;
	[dreg:$0x12] =	wrdreg s22  }
0x11: {  	s29 =	simm.s32 $0x7000;
	s30 =	simm.s32 $0x7800;
	[dreg:$0x13] =	wrdreg s23  }
0x12: {  	s31 =	simm.s32 $0x8000;
	s10 =	simm.s32 $0x9800;
	[dreg:$0x14] =	wrdreg s25  }
0x13: {  	s11 =	simm.s32 $0xA000;
	s5 =	sand.u32 $0x1, s5;
	[dreg:$0x15] =	wrdreg s26  }
0x14: {  	s7 =	sshll.u32 s6, $0x1;
	p0 =	sne.s32 s6, $0x0;
	[dreg:$0x16] =	wrdreg s28  }
0x15: {  	s6 =	simm.s32 $0x10000;
	s7 =	sor.u32 s5, s7;
	[dreg:$0x17] =	wrdreg s29  }
0x16: {  	s12 =	sshll.u32 s5, $0x4;
	s5 =	ssub.s32 $0x2, s5;
	[dreg:$0x18] =	wrdreg s30  }
0x17: {  	[dreg:$0x19] =	wrdreg s31;
	s14 =	simm.s32 $0xB800;
	s15 =	simm.s32 $0xC000  }
0x18: {  	s16 =	simm.s32 $0xC800;
	s17 =	simm.s32 $0xD000;
	s18 =	simm.s32 $0xD800  }
0x19: {  	s19 =	simm.s32 $0xE000;
	s20 =	simm.s32 $0xE800;
	s21 =	simm.s32 $0xF000  }
0x1a: {  	s22 =	simm.s32 $0xF800;
	s23 =	simm.s32 $0x10100;
	s25 =	simm.s32 $0x10080  }
0x1b: {  	s26 =	simm.s32 $0x1;
	s8 =	sshll.u32 s7, $0x5;
	s7 =	sshll.u32 s7, $0xD  }
0x1c: {  	s9 =	sadd.s32 s12, s3;
	s24 =	sshrl.u32 s5, $0x1;
	s12 =	simm.s32 $0xA800  }
0x1d: {  	s8 =	sadd.s32 s8, s3;
	s4 =	sadd.s32 s4, s7;
	s13 =	sadd.s32 $0x42000, s9  }
0x1e: {  	s3 =	sadd.s32 $0x1800, s3;
	s5 =	ssub.s32 s5, s24;
	s7 =	simm.s32 $0x2  }
0x1f: {  	v2 =	vlaneseq.u32;
	s9 =	simm.s32 $0x9000;
	s24 =	simm.s32 $0x80;
	[dreg:$0x8] =	wrdreg s4  }
0x20: {  	vm0 =	vmmov $0xffff;
	v1 =	vshrl.u32 v2, $0x3;
	s8 =	sadd.s32 $0x41800, s8;
	[dreg:$0x9] =	wrdreg s13;
	s4 =	smax.u32 s5, $0x1  }
0x21: {  	v0 =	vand.u32 $0x7, v2;
	v2 =	vor.u32 $0x8, v2;
	v1 =	vmul.u32 $0x8, v1;
	s5 =	sshrl.u32 @!p0 s1, $0x3;
	s13 =	simm.s32 $0xB000;
	[dreg:$0x7] =	wrdreg s8  }
.LBB2_1:
0x22: {  	s28 =	rddreg [dreg:$0x6];
	s29 =	simm.s32 @!p0 $0x1C02  }
0x23: {  	[spmem:s5], [sflag:s29] =	dma.local @!p0 [hbm:s28], $0x400  }
0x24: {  	s28 =	simm.s32 @!p0 $0x2  }
0x25: {  	_ =	swait.ge @!p0 [sflag:s28], $0x400  }
0x26: {  	[sflag:s28] =	ssyncset.done @!p0 $0x0  }
0x27: {  	[sflag:s28] =	ssyncadd.s32 @!p0 $0xFFFFFC00  }
0x28: {  	[bflag:$0x0] =	sbarrier.arrive $0xFFFF  }
0x29: {  	s30 =	rddreg [dreg:$0x7]  }
0x2a: {  	[tilespmem:s6], [sflag:$0x2] =	stream.linear.gather [hbm4b:s30+s2], $0x100, $0x38;
	[tilespmem:$0x10380] =	vst v63  }
0x2b: {  	_ =	swait.ge [sflag:s7], $0x100  }
0x2c: {  	[sflag:s7] =	ssyncset.done $0x0  }
0x2d: {  	[sflag:s7] =	ssyncadd.s32 $0xFFFFFF00  }
0x2e: {  	v3 =	vld [tilespmem:$0x10000];
	_ =	sdelay $0x4  }
0x2f: {  	v4 =	vshll.u32 v3, $0x1  }
0x30: {  	v3 =	vand.u32 $0x7, v3;
	v4 =	vand.u32 $0xFFFFFFF0, v4  }
0x31: {  	v3 =	vor.u32 v3, v4  }
0x32: {  	v4 =	vperm.xlane v3, v0;
	_ =	sdelay $0x1  }
0x33: {  	v3 =	vperm.xlane v3, v2;
	v4 =	vadd.s32 v1, v4;
	_ =	sdelay $0x1  }
0x34: {  	v3 =	vadd.s32 v1, v3;
	_ =	sdelay $0x2  }
0x35: {  	[tilespmem:s2], [sflag:$0x1] =	stream.indirect_vreg.gather [hbm4b:s3+s2], $0x80, v4, vm0, $0xb8;
	[tilespmem:$0x10380] =	vst v63  }
0x36: {  	s0 =	rddreg [dreg:$0xa]  }
0x37: {  	[tilespmem:s0], [sflag:$0x1] =	stream.indirect_vreg.gather [hbm4b:s3+s2], $0x80, v3, vm0, $0xb8;
	[tilespmem:$0x10380] =	vst v63  }
0x38: {  	v3 =	vld [tilespmem:$0x10010];
	_ =	sdelay $0x4  }
0x39: {  	v49 =	vshll.u32 v3, $0x1  }
0x3a: {  	v3 =	vand.u32 $0x7, v3;
	v4 =	vand.u32 $0xFFFFFFF0, v49  }
0x3b: {  	v3 =	vor.u32 v3, v4  }
0x3c: {  	v4 =	vperm.xlane v3, v0;
	_ =	sdelay $0x1  }
0x3d: {  	v3 =	vperm.xlane v3, v2;
	v4 =	vadd.s32 v1, v4;
	_ =	sdelay $0x1  }
0x3e: {  	v3 =	vadd.s32 v1, v3;
	_ =	sdelay $0x1  }
0x3f: {  	s8 =	rddreg [dreg:$0xb]  }
0x40: {  	[tilespmem:s8], [sflag:$0x1] =	stream.indirect_vreg.gather [hbm4b:s3+s2], $0x80, v4, vm0, $0xb8;
	[tilespmem:$0x10380] =	vst v63  }
0x41: {  	s31 =	rddreg [dreg:$0xc]  }
0x42: {  	[tilespmem:s31], [sflag:$0x1] =	stream.indirect_vreg.gather [hbm4b:s3+s2], $0x80, v3, vm0, $0xb8;
	[tilespmem:$0x10380] =	vst v63  }
0x43: {  	v3 =	vld [tilespmem:$0x10020];
	_ =	sdelay $0x4  }
0x44: {  	v50 =	vshll.u32 v3, $0x1  }
0x45: {  	v3 =	vand.u32 $0x7, v3;
	v4 =	vand.u32 $0xFFFFFFF0, v50  }
0x46: {  	v3 =	vor.u32 v3, v4  }
0x47: {  	v4 =	vperm.xlane v3, v0;
	_ =	sdelay $0x1  }
0x48: {  	v3 =	vperm.xlane v3, v2;
	v4 =	vadd.s32 v1, v4;
	_ =	sdelay $0x1  }
0x49: {  	v3 =	vadd.s32 v1, v3;
	_ =	sdelay $0x1  }
0x4a: {  	s0 =	rddreg [dreg:$0xd]  }
0x4b: {  	[tilespmem:s0], [sflag:$0x1] =	stream.indirect_vreg.gather [hbm4b:s3+s2], $0x80, v4, vm0, $0xb8;
	[tilespmem:$0x10380] =	vst v63  }
0x4c: {  	s8 =	rddreg [dreg:$0xe]  }
0x4d: {  	[tilespmem:s8], [sflag:$0x1] =	stream.indirect_vreg.gather [hbm4b:s3+s2], $0x80, v3, vm0, $0xb8;
	[tilespmem:$0x10380] =	vst v63  }
0x4e: {  	v3 =	vld [tilespmem:$0x10030];
	_ =	sdelay $0x4  }
0x4f: {  	v51 =	vshll.u32 v3, $0x1  }
0x50: {  	v3 =	vand.u32 $0x7, v3;
	v4 =	vand.u32 $0xFFFFFFF0, v51  }
0x51: {  	v3 =	vor.u32 v3, v4  }
0x52: {  	v4 =	vperm.xlane v3, v0;
	_ =	sdelay $0x1  }
0x53: {  	v3 =	vperm.xlane v3, v2;
	v4 =	vadd.s32 v1, v4;
	_ =	sdelay $0x1  }
0x54: {  	v3 =	vadd.s32 v1, v3;
	_ =	sdelay $0x1  }
0x55: {  	s0 =	rddreg [dreg:$0xf]  }
0x56: {  	[tilespmem:s0], [sflag:$0x1] =	stream.indirect_vreg.gather [hbm4b:s3+s2], $0x80, v4, vm0, $0xb8;
	[tilespmem:$0x10380] =	vst v63  }
0x57: {  	s8 =	rddreg [dreg:$0x10]  }
0x58: {  	[tilespmem:s8], [sflag:$0x1] =	stream.indirect_vreg.gather [hbm4b:s3+s2], $0x80, v3, vm0, $0xb8;
	[tilespmem:$0x10380] =	vst v63  }
0x59: {  	v3 =	vld [tilespmem:$0x10040];
	_ =	sdelay $0x4  }
0x5a: {  	v52 =	vshll.u32 v3, $0x1  }
0x5b: {  	v3 =	vand.u32 $0x7, v3;
	v4 =	vand.u32 $0xFFFFFFF0, v52  }
0x5c: {  	v3 =	vor.u32 v3, v4  }
0x5d: {  	v4 =	vperm.xlane v3, v0;
	_ =	sdelay $0x1  }
0x5e: {  	v3 =	vperm.xlane v3, v2;
	v4 =	vadd.s32 v1, v4;
	_ =	sdelay $0x1  }
0x5f: {  	v3 =	vadd.s32 v1, v3;
	_ =	sdelay $0x1  }
0x60: {  	s0 =	rddreg [dreg:$0x11]  }
0x61: {  	[tilespmem:s0], [sflag:$0x1] =	stream.indirect_vreg.gather [hbm4b:s3+s2], $0x80, v4, vm0, $0xb8;
	[tilespmem:$0x10380] =	vst v63  }
0x62: {  	s8 =	rddreg [dreg:$0x12]  }
0x63: {  	[tilespmem:s8], [sflag:$0x1] =	stream.indirect_vreg.gather [hbm4b:s3+s2], $0x80, v3, vm0, $0xb8;
	[tilespmem:$0x10380] =	vst v63  }
0x64: {  	v3 =	vld [tilespmem:$0x10050];
	_ =	sdelay $0x4  }
0x65: {  	v53 =	vshll.u32 v3, $0x1  }
0x66: {  	v3 =	vand.u32 $0x7, v3;
	v4 =	vand.u32 $0xFFFFFFF0, v53  }
0x67: {  	v3 =	vor.u32 v3, v4  }
0x68: {  	v4 =	vperm.xlane v3, v0;
	_ =	sdelay $0x1  }
0x69: {  	v3 =	vperm.xlane v3, v2;
	v4 =	vadd.s32 v1, v4;
	_ =	sdelay $0x1  }
0x6a: {  	v3 =	vadd.s32 v1, v3;
	_ =	sdelay $0x1  }
0x6b: {  	s0 =	rddreg [dreg:$0x13]  }
0x6c: {  	[tilespmem:s0], [sflag:$0x1] =	stream.indirect_vreg.gather [hbm4b:s3+s2], $0x80, v4, vm0, $0xb8;
	[tilespmem:$0x10380] =	vst v63  }
0x6d: {  	s8 =	rddreg [dreg:$0x14]  }
0x6e: {  	[tilespmem:s8], [sflag:$0x1] =	stream.indirect_vreg.gather [hbm4b:s3+s2], $0x80, v3, vm0, $0xb8;
	[tilespmem:$0x10380] =	vst v63  }
0x6f: {  	v3 =	vld [tilespmem:$0x10060];
	_ =	sdelay $0x4  }
0x70: {  	v54 =	vshll.u32 v3, $0x1  }
0x71: {  	v3 =	vand.u32 $0x7, v3;
	v4 =	vand.u32 $0xFFFFFFF0, v54  }
0x72: {  	v3 =	vor.u32 v3, v4  }
0x73: {  	v4 =	vperm.xlane v3, v0;
	_ =	sdelay $0x1  }
0x74: {  	v3 =	vperm.xlane v3, v2;
	v4 =	vadd.s32 v1, v4;
	_ =	sdelay $0x1  }
0x75: {  	v3 =	vadd.s32 v1, v3;
	_ =	sdelay $0x1  }
0x76: {  	s0 =	rddreg [dreg:$0x15]  }
0x77: {  	[tilespmem:s0], [sflag:$0x1] =	stream.indirect_vreg.gather [hbm4b:s3+s2], $0x80, v4, vm0, $0xb8;
	[tilespmem:$0x10380] =	vst v63  }
0x78: {  	s8 =	rddreg [dreg:$0x16]  }
0x79: {  	[tilespmem:s8], [sflag:$0x1] =	stream.indirect_vreg.gather [hbm4b:s3+s2], $0x80, v3, vm0, $0xb8;
	[tilespmem:$0x10380] =	vst v63  }
0x7a: {  	v3 =	vld [tilespmem:$0x10070];
	_ =	sdelay $0x4  }
0x7b: {  	v55 =	vshll.u32 v3, $0x1  }
0x7c: {  	v3 =	vand.u32 $0x7, v3;
	v4 =	vand.u32 $0xFFFFFFF0, v55  }
0x7d: {  	v3 =	vor.u32 v3, v4  }
0x7e: {  	v4 =	vperm.xlane v3, v0;
	_ =	sdelay $0x1  }
0x7f: {  	v3 =	vperm.xlane v3, v2;
	v4 =	vadd.s32 v1, v4;
	_ =	sdelay $0x1  }
0x80: {  	v3 =	vadd.s32 v1, v3;
	_ =	sdelay $0x1  }
0x81: {  	s0 =	rddreg [dreg:$0x17]  }
0x82: {  	[tilespmem:s0], [sflag:$0x1] =	stream.indirect_vreg.gather [hbm4b:s3+s2], $0x80, v4, vm0, $0xb8;
	[tilespmem:$0x10380] =	vst v63  }
0x83: {  	s8 =	rddreg [dreg:$0x18]  }
0x84: {  	[tilespmem:s8], [sflag:$0x1] =	stream.indirect_vreg.gather [hbm4b:s3+s2], $0x80, v3, vm0, $0xb8;
	[tilespmem:$0x10380] =	vst v63  }
0x85: {  	v3 =	vld [tilespmem:$0x10080];
	_ =	sdelay $0x4  }
0x86: {  	v56 =	vshll.u32 v3, $0x1  }
0x87: {  	v3 =	vand.u32 $0x7, v3;
	v4 =	vand.u32 $0xFFFFFFF0, v56  }
0x88: {  	v3 =	vor.u32 v3, v4  }
0x89: {  	v4 =	vperm.xlane v3, v0;
	_ =	sdelay $0x1  }
0x8a: {  	v3 =	vperm.xlane v3, v2;
	v4 =	vadd.s32 v1, v4;
	_ =	sdelay $0x1  }
0x8b: {  	v3 =	vadd.s32 v1, v3;
	_ =	sdelay $0x1  }
0x8c: {  	s0 =	rddreg [dreg:$0x19]  }
0x8d: {  	[tilespmem:s0], [sflag:$0x1] =	stream.indirect_vreg.gather [hbm4b:s3+s2], $0x80, v4, vm0, $0xb8;
	[tilespmem:$0x10380] =	vst v63  }
0x8e: {  	s0 =	simm.s32 $0x8800  }
0x8f: {  	[tilespmem:s0], [sflag:$0x1] =	stream.indirect_vreg.gather [hbm4b:s3+s2], $0x80, v3, vm0, $0xb8;
	[tilespmem:$0x10380] =	vst v63  }
0x90: {  	v3 =	vld [tilespmem:$0x10090];
	_ =	sdelay $0x4  }
0x91: {  	v57 =	vshll.u32 v3, $0x1  }
0x92: {  	v3 =	vand.u32 $0x7, v3;
	v4 =	vand.u32 $0xFFFFFFF0, v57  }
0x93: {  	v3 =	vor.u32 v3, v4  }
0x94: {  	v4 =	vperm.xlane v3, v0;
	_ =	sdelay $0x1  }
0x95: {  	v3 =	vperm.xlane v3, v2;
	v4 =	vadd.s32 v1, v4;
	_ =	sdelay $0x1  }
0x96: {  	v3 =	vadd.s32 v1, v3;
	_ =	sdelay $0x2  }
0x97: {  	[tilespmem:s9], [sflag:$0x1] =	stream.indirect_vreg.gather [hbm4b:s3+s2], $0x80, v4, vm0, $0xb8;
	[tilespmem:$0x10380] =	vst v63  }
0x98: {  	_ = 	snop  }
0x99: {  	[tilespmem:s10], [sflag:$0x1] =	stream.indirect_vreg.gather [hbm4b:s3+s2], $0x80, v3, vm0, $0xb8;
	[tilespmem:$0x10380] =	vst v63  }
0x9a: {  	v3 =	vld [tilespmem:$0x100A0];
	_ =	sdelay $0x4  }
0x9b: {  	v58 =	vshll.u32 v3, $0x1  }
0x9c: {  	v3 =	vand.u32 $0x7, v3;
	v4 =	vand.u32 $0xFFFFFFF0, v58  }
0x9d: {  	v3 =	vor.u32 v3, v4  }
0x9e: {  	v4 =	vperm.xlane v3, v0;
	_ =	sdelay $0x1  }
0x9f: {  	v3 =	vperm.xlane v3, v2;
	v4 =	vadd.s32 v1, v4;
	_ =	sdelay $0x1  }
0xa0: {  	v3 =	vadd.s32 v1, v3;
	_ =	sdelay $0x2  }
0xa1: {  	[tilespmem:s11], [sflag:$0x1] =	stream.indirect_vreg.gather [hbm4b:s3+s2], $0x80, v4, vm0, $0xb8;
	[tilespmem:$0x10380] =	vst v63  }
0xa2: {  	_ = 	snop  }
0xa3: {  	[tilespmem:s12], [sflag:$0x1] =	stream.indirect_vreg.gather [hbm4b:s3+s2], $0x80, v3, vm0, $0xb8;
	[tilespmem:$0x10380] =	vst v63  }
0xa4: {  	v3 =	vld [tilespmem:$0x100B0];
	_ =	sdelay $0x4  }
0xa5: {  	v59 =	vshll.u32 v3, $0x1  }
0xa6: {  	v3 =	vand.u32 $0x7, v3;
	v4 =	vand.u32 $0xFFFFFFF0, v59  }
0xa7: {  	v3 =	vor.u32 v3, v4  }
0xa8: {  	v4 =	vperm.xlane v3, v0;
	_ =	sdelay $0x1  }
0xa9: {  	v3 =	vperm.xlane v3, v2;
	v4 =	vadd.s32 v1, v4;
	_ =	sdelay $0x1  }
0xaa: {  	v3 =	vadd.s32 v1, v3;
	_ =	sdelay $0x2  }
0xab: {  	[tilespmem:s13], [sflag:$0x1] =	stream.indirect_vreg.gather [hbm4b:s3+s2], $0x80, v4, vm0, $0xb8;
	[tilespmem:$0x10380] =	vst v63  }
0xac: {  	_ = 	snop  }
0xad: {  	[tilespmem:s14], [sflag:$0x1] =	stream.indirect_vreg.gather [hbm4b:s3+s2], $0x80, v3, vm0, $0xb8;
	[tilespmem:$0x10380] =	vst v63  }
0xae: {  	v3 =	vld [tilespmem:$0x100C0];
	_ =	sdelay $0x4  }
0xaf: {  	v60 =	vshll.u32 v3, $0x1  }
0xb0: {  	v3 =	vand.u32 $0x7, v3;
	v4 =	vand.u32 $0xFFFFFFF0, v60  }
0xb1: {  	v3 =	vor.u32 v3, v4  }
0xb2: {  	v4 =	vperm.xlane v3, v0;
	_ =	sdelay $0x1  }
0xb3: {  	v3 =	vperm.xlane v3, v2;
	v4 =	vadd.s32 v1, v4;
	_ =	sdelay $0x1  }
0xb4: {  	v3 =	vadd.s32 v1, v3;
	_ =	sdelay $0x2  }
0xb5: {  	[tilespmem:s15], [sflag:$0x1] =	stream.indirect_vreg.gather [hbm4b:s3+s2], $0x80, v4, vm0, $0xb8;
	[tilespmem:$0x10380] =	vst v63  }
0xb6: {  	_ = 	snop  }
0xb7: {  	[tilespmem:s16], [sflag:$0x1] =	stream.indirect_vreg.gather [hbm4b:s3+s2], $0x80, v3, vm0, $0xb8;
	[tilespmem:$0x10380] =	vst v63  }
0xb8: {  	v3 =	vld [tilespmem:$0x100D0];
	_ =	sdelay $0x4  }
0xb9: {  	v61 =	vshll.u32 v3, $0x1  }
0xba: {  	v3 =	vand.u32 $0x7, v3;
	v4 =	vand.u32 $0xFFFFFFF0, v61  }
0xbb: {  	v3 =	vor.u32 v3, v4  }
0xbc: {  	v4 =	vperm.xlane v3, v0;
	_ =	sdelay $0x1  }
0xbd: {  	v3 =	vperm.xlane v3, v2;
	v4 =	vadd.s32 v1, v4;
	_ =	sdelay $0x1  }
0xbe: {  	v3 =	vadd.s32 v1, v3;
	_ =	sdelay $0x2  }
0xbf: {  	[tilespmem:s17], [sflag:$0x1] =	stream.indirect_vreg.gather [hbm4b:s3+s2], $0x80, v4, vm0, $0xb8;
	[tilespmem:$0x10380] =	vst v63  }
0xc0: {  	_ = 	snop  }
0xc1: {  	[tilespmem:s18], [sflag:$0x1] =	stream.indirect_vreg.gather [hbm4b:s3+s2], $0x80, v3, vm0, $0xb8;
	[tilespmem:$0x10380] =	vst v63  }
0xc2: {  	v3 =	vld [tilespmem:$0x100E0];
	_ =	sdelay $0x4  }
0xc3: {  	v62 =	vshll.u32 v3, $0x1  }
0xc4: {  	v3 =	vand.u32 $0x7, v3;
	v4 =	vand.u32 $0xFFFFFFF0, v62  }
0xc5: {  	v3 =	vor.u32 v3, v4  }
0xc6: {  	v4 =	vperm.xlane v3, v0;
	_ =	sdelay $0x1  }
0xc7: {  	v3 =	vperm.xlane v3, v2;
	v4 =	vadd.s32 v1, v4;
	_ =	sdelay $0x1  }
0xc8: {  	v3 =	vadd.s32 v1, v3;
	_ =	sdelay $0x2  }
0xc9: {  	[tilespmem:s19], [sflag:$0x1] =	stream.indirect_vreg.gather [hbm4b:s3+s2], $0x80, v4, vm0, $0xb8;
	[tilespmem:$0x10380] =	vst v63  }
0xca: {  	_ = 	snop  }
0xcb: {  	[tilespmem:s20], [sflag:$0x1] =	stream.indirect_vreg.gather [hbm4b:s3+s2], $0x80, v3, vm0, $0xb8;
	[tilespmem:$0x10380] =	vst v63  }
0xcc: {  	v3 =	vld [tilespmem:$0x100F0];
	_ =	sdelay $0x4  }
0xcd: {  	v63 =	vshll.u32 v3, $0x1  }
0xce: {  	v3 =	vand.u32 $0x7, v3;
	v4 =	vand.u32 $0xFFFFFFF0, v63  }
0xcf: {  	v3 =	vor.u32 v3, v4  }
0xd0: {  	v4 =	vperm.xlane v3, v0;
	_ =	sdelay $0x1  }
0xd1: {  	v3 =	vperm.xlane v3, v2;
	v4 =	vadd.s32 v1, v4;
	_ =	sdelay $0x1  }
0xd2: {  	v3 =	vadd.s32 v1, v3;
	_ =	sdelay $0x2  }
0xd3: {  	[tilespmem:s21], [sflag:$0x1] =	stream.indirect_vreg.gather [hbm4b:s3+s2], $0x80, v4, vm0, $0xb8;
	[tilespmem:$0x10380] =	vst v63  }
0xd4: {  	_ = 	snop  }
0xd5: {  	[tilespmem:s22], [sflag:$0x1] =	stream.indirect_vreg.gather [hbm4b:s3+s2], $0x80, v3, vm0, $0xb8;
	[tilespmem:$0x10380] =	vst v63  }
0xd6: {  	s8 =	rddreg [dreg:$0x5]  }
0xd7: {  	[tilespmem:s23], [sflag:$0x2] =	stream.linear.gather [hbm4b:s8+s2], $0x80, $0x38;
	[tilespmem:$0x10380] =	vst v63  }
0xd8: {  	_ =	swait.ge [sflag:s7], $0x80  }
0xd9: {  	[sflag:s7] =	ssyncset.done $0x0  }
0xda: {  	[sflag:s7] =	ssyncadd.s32 $0xFFFFFF80  }
0xdb: {  	[spmem:s1] =	stream.indirect.scatter.add.f32 [tilespmem:s23], [sflag:$0x2], $0x1, s6, s24, $0xb8;
	[tilespmem:$0x10380] =	vst v63  }
0xdc: {  	_ =	swait.ge [sflag:s7], $0x80  }
0xdd: {  	[sflag:s7] =	ssyncset.done $0x0  }
0xde: {  	[sflag:s7] =	ssyncadd.s32 $0xFFFFFF80  }
0xdf: {  	[spmem:s1] =	stream.indirect.scatter.add.f32 [tilespmem:s23], [sflag:$0x2], $0x1, s25, s24, $0xb8;
	[tilespmem:$0x10380] =	vst v63  }
0xe0: {  	_ =	swait.ge [sflag:s7], $0x80  }
0xe1: {  	[sflag:s7] =	ssyncset.done $0x0  }
0xe2: {  	[sflag:s7] =	ssyncadd.s32 $0xFFFFFF80  }
0xe3: {  	_ =	swait.ge [sflag:s26], $0x8000  }
0xe4: {  	[sflag:s26] =	ssyncset.done $0x0  }
0xe5: {  	[sflag:s26] =	ssyncadd.s32 $0xFFFF8000  }
0xe6: {  	_ =	swait.ge [sflag:s26], $0x8000  }
0xe7: {  	[sflag:s26] =	ssyncset.done $0x0  }
0xe8: {  	s31 =	rddreg [dreg:$0x8];
	[sflag:s26] =	ssyncadd.s32 $0xFFFF8000  }
0xe9: {  	[hbm4b:s31+s2] =	stream.linear.scatter [tilespmem:s2], [sflag:$0x2], $0x10000, $0x38;
	[tilespmem:$0x10380] =	vst v63  }
0xea: {  	_ =	swait.ge [sflag:s7], $0x10000  }
0xeb: {  	s4 =	sadd.s32 $0xFFFFFFFF, s4;
	[sflag:s7] =	ssyncset.done $0x0  }
0xec: {  	p1 =	sne.s32 s4, $0x0;
	[sflag:s7] =	ssyncadd.s32 $0xFFFF0000  }
0xed: {  	s0 =	simm.s32 @!p0 $0x20;
	s8 =	simm.s32 @!p0 $0x10;
	[bflag:$0x0] =	sbarrier.arrive $0xFFFF  }
.Ltmp0:
0xee: {  	s31 =	simm.s32 @!p0 $0x1;
	s30 =	rddreg [dreg:$0x9];
	(pc) =	sbr.rel @p1 .LBB2_1-.Ltmp0, $4  }
0xef: {  	[hbm:s30@s0], [sflag:s29] =	dma.strided @!p0 [spmem:s5@s8], $0x400, s31, $0x10   }
0xf0: {  	_ =	swait.ge @!p0 [sflag:s28], $0x400  }
0xf1: {  	[sflag:s28] =	ssyncset.done @!p0 $0x0  }
0xf2: {  	[sflag:s28] =	ssyncadd.s32 @!p0 $0xFFFFFC00  }
0xf3: {  	_ =	sfence.sel $0x180000  }
0xf4: {  	[bflag:$0x0] =	sbarrier.arrive $0xFFFF  }
0xf5: {  	_ =	strace $0x90000047  }
0xf6: {  	[bflag:$0x2] =	sbarrier.arrive $0xFFFF  }
0xf7: {  	s0 =	rddreg [dreg:$0x4]  }
0xf8: {  	s0 =	sadd.s32 @!p0 $0x100000, s0  }
0xf9: {  	[sflag:s0] =	ssyncadd.tile.s32 @!p0 $0x1;
	_ =	shalt  }
.Lfunc_end2:
_tile_overlayer_lowered:
.L_overlay_start_2:
0xfa: {  	(tag) =	ssettag $0x2  }
0xfb: {  	s0 =	rddreg [dreg:$0x0];
	s2 =	stileid.u32  }
0xfc: {  	s1 =	rddreg [dreg:$0x1];
	p0 =	sne.s32 s2, $0x0  }
0xfd: {  	s3 =	rddreg [dreg:$0x2];
	[bflag:$0x3] =	sbarrier.arrive $0xFFFF;
	s2 =	simm.s32 @!p0 $0x1C02  }
0xfe: {  	[timem:s3], [sflag:s2] =	dma.local @!p0 [hbm:s0], s1  }
0xff: {  	s0 =	simm.s32 @!p0 $0x2  }
0x100: {  	_ =	swait.ge @!p0 [sflag:s0], s1  }
0x101: {  	s1 =	ssub.s32 @!p0 $0x0, s1;
	[sflag:s0] =	ssyncset.done @!p0 $0x0  }
0x102: {  	[sflag:s0] =	ssyncadd.s32 @!p0 s1  }
0x103: {  	[bflag:$0x3] =	sbarrier.arrive $0xFFFF  }
0x104: {  	_ =	shalt  }

</sc_bundles>
